<compile_context>
chip_gen: v7x
topology: tpu7x:2x2x1
jax: 0.10.2.dev20260603
libtpu: 0.0.44.dev20260713+nightly
codegen_flags: <defaults>
</compile_context>

<pallas_src>
import functools

import jax
import jax.numpy as jnp
from jax import lax
from jax.experimental import pallas as pl
from jax.experimental.pallas import tpu as pltpu
from jax.experimental.pallas import tpu_sc as plsc

VOCAB = 1000
EMBED_DIM = 64
B = 4096
L = 200

N = B * L
NUM_WORKERS = 32
PER_WORKER = N // NUM_WORKERS
GROUP = 128
SUPER = 512
CHUNKS = SUPER // GROUP
NUM_SUPER = PER_WORKER // SUPER


_mesh = plsc.VectorSubcoreMesh(core_axis_name="c", subcore_axis_name="s")


@functools.partial(
    pl.kernel,
    mesh=_mesh,
    out_type=jax.ShapeDtypeStruct((N, EMBED_DIM), jnp.float32),
    scratch_types=[
        pltpu.VMEM_SHARED((VOCAB, EMBED_DIM), jnp.float32),
        pltpu.VMEM((NUM_SUPER, SUPER), jnp.int32),
        pltpu.VMEM((SUPER, EMBED_DIM), jnp.float32),
        pltpu.VMEM((SUPER, EMBED_DIM), jnp.float32),
        pltpu.SemaphoreType.DMA,
        pltpu.SemaphoreType.DMA,
        pltpu.SemaphoreType.DMA,
        pltpu.SemaphoreType.DMA,
    ],
    compiler_params=pltpu.CompilerParams(use_tc_tiling_on_sc=False),
)
def _embed_sc(news_hbm, table_hbm, out_hbm, table_sh, idx_v, buf0, buf1,
              gsem0, gsem1, ssem0, ssem1):
    sid = lax.axis_index("s")
    wid = sid * 2 + lax.axis_index("c")
    base = wid * PER_WORKER

    @pl.when(sid == 0)
    def _():
        pltpu.sync_copy(table_hbm, table_sh)

    pltpu.sync_copy(news_hbm.at[wid], idx_v)
    plsc.subcore_barrier()

    bufs = (buf0, buf1)
    gsems = (gsem0, gsem1)
    ssems = (ssem0, ssem1)

    def start_gathers(s, buf, gsem):
        for c in range(CHUNKS):
            pltpu.async_copy(
                table_sh.at[idx_v.at[s, pl.ds(c * GROUP, GROUP)]],
                buf.at[pl.ds(c * GROUP, GROUP)],
                gsem,
            )

    def wait_gathers(buf, gsem):
        pltpu.make_async_copy(table_sh.at[pl.ds(0, SUPER)], buf, gsem).wait()

    def wait_store(buf, ssem):
        pltpu.make_async_copy(buf, out_hbm.at[pl.ds(base, SUPER)], ssem).wait()

    start_gathers(0, buf0, gsem0)

    def body(i, _):
        for par in range(2):
            s = i * 2 + par
            b = par
            nb = 1 - par

            @pl.when(s >= 1)
            def _():
                wait_store(bufs[nb], ssems[nb])

            @pl.when(s + 1 < NUM_SUPER)
            def _():
                start_gathers(s + 1, bufs[nb], gsems[nb])

            wait_gathers(bufs[b], gsems[b])
            pltpu.async_copy(
                bufs[b], out_hbm.at[pl.ds(base + s * SUPER, SUPER)], ssems[b])
        return 0

    lax.fori_loop(0, NUM_SUPER // 2, body, 0)

    wait_store(buf1, ssem1)


def kernel(news, news_mask, table):
    del news_mask
    idx = news.reshape(NUM_WORKERS, NUM_SUPER, SUPER)
    out = _embed_sc(idx, table)
    return out.reshape(B, L, EMBED_DIM)

# --- scband reference (transcript-rebuilt; emitter-appended) ---
"""Pipeline reference for scband-news-embedding-10084583211129 (READ-ONLY COPY).

The authoritative reference and input builder live on the scoring server;
editing this copy changes nothing except your own understanding.
"""

import jax, jax.numpy as jnp
import numpy as np

VOCAB = 1000
EMBED_DIM = 64
B = 4096
L = 200

def setup_inputs(seed: int = 0) -> dict:
    key = jax.random.key(seed)
    k1, k2 = jax.random.split(key, 2)
    # indices (int32 used for CPU-jax compatibility; semantically int64 token ids)
    news = jax.random.randint(k1, (B, L), 0, VOCAB, dtype=jnp.int32)
    news_mask = jnp.ones((B, L), dtype=jnp.float32)
    # learned embedding table: nn.Embedding(len(word_dict), embed_dim, padding_idx=0)
    table = jax.random.normal(k2, (VOCAB, EMBED_DIM), dtype=jnp.float32) * 0.02
    table = table.at[0].set(0.0)  # padding_idx=0 row initialized to zeros
    return {"news": news, "news_mask": news_mask, "table": table}

def reference(news, news_mask, table):
    # embedding_type == 'init' path: embedding = self.embedding(news)
    # news_mask is accepted but unused on this path (matches the torch forward).
    embedding = jnp.take(table, news, axis=0)
    return embedding

if __name__ == "__main__":
    import jax
    _d = setup_inputs()
    print(jax.jit(kernel)(*tuple(_d.values())))

</pallas_src>

<mosaic_0001>
#map = affine_map<(d0, d1) -> (0, 0, 0)>
#map1 = affine_map<(d0, d1) -> (0, 0)>
module attributes {stable_mosaic.version = 14 : i64} {
  func.func @_embed_sc(%arg0: i32, %arg1: i32, %arg2: memref<32x50x512xi32, #tpu.memory_space<hbm>>, %arg3: memref<1000x64xf32, #tpu.memory_space<hbm>>, %arg4: memref<819200x64xf32, #tpu.memory_space<hbm>>, %arg5: memref<1000x64xf32, #tpu.memory_space<vmem_shared>>, %arg6: memref<50x512xi32, #tpu.memory_space<vmem>>, %arg7: memref<512x64xf32, #tpu.memory_space<vmem>>, %arg8: memref<512x64xf32, #tpu.memory_space<vmem>>, %arg9: memref<!tpu.dma_semaphore, #tpu.memory_space<semaphore_mem>>, %arg10: memref<!tpu.dma_semaphore, #tpu.memory_space<semaphore_mem>>, %arg11: memref<!tpu.dma_semaphore, #tpu.memory_space<semaphore_mem>>, %arg12: memref<!tpu.dma_semaphore, #tpu.memory_space<semaphore_mem>>) attributes {dimension_semantics = [#tpu.dimension_semantics<core_parallel>, #tpu.dimension_semantics<subcore_parallel>], iteration_bounds = array<i64: 2, 16>, scalar_prefetch = 0 : i64, scratch_operands = 8 : i64, tpu.core_type = #tpu.core_type<sc_vector_subcore>, window_params = [{transform_indices = #map}, {transform_indices = #map1}, {transform_indices = #map1}]} {
    %mul3A = arith.constant 2 : i32
    %mul3A_0 = arith.muli %arg1, %mul3A : i32
    %add3A = arith.addi %mul3A_0, %arg0 : i32
    %mul3A_1 = arith.constant 25600 : i32
    %mul3A_2 = arith.muli %add3A, %mul3A_1 : i32
    %eq3A = arith.constant 0 : i32
    %eq3A_3 = arith.cmpi eq, %arg1, %eq3A : i32
    %convert_element_type3A = arith.extui %eq3A_3 : i1 to i32
    %cond3A = arith.constant 0 : i32
    %cond3A_4 = arith.cmpi ne, %convert_element_type3A, %cond3A : i32
    scf.if %cond3A_4 {
      "tpu.region"() ({
        %run_scoped3A = tpu.sem_alloc : memref<!tpu.dma_semaphore, #tpu.memory_space<semaphore_mem>>
        tpu.enqueue_dma source(%arg3 : memref<1000x64xf32, #tpu.memory_space<hbm>>) target(%arg5 : memref<1000x64xf32, #tpu.memory_space<vmem_shared>>) target_semaphore(%run_scoped3A : memref<!tpu.dma_semaphore, #tpu.memory_space<semaphore_mem>>)
        tpu.wait_dma2 semaphore(%run_scoped3A : memref<!tpu.dma_semaphore, #tpu.memory_space<semaphore_mem>>) src(%arg3 : memref<1000x64xf32, #tpu.memory_space<hbm>>) dst(%arg5 : memref<1000x64xf32, #tpu.memory_space<vmem_shared>>)
        tpu.yield
      }) : () -> ()
    } else {
    }
    "tpu.region"() ({
      %run_scoped3A = tpu.sem_alloc : memref<!tpu.dma_semaphore, #tpu.memory_space<semaphore_mem>>
      %dma_start3A_53 = arith.constant 0 : i32
      %dma_start3A_54 = arith.constant 0 : i32
      %dma_start3A_55 = tpu.memref_slice %arg2[%add3A, %dma_start3A_53, %dma_start3A_54] : memref<32x50x512xi32, #tpu.memory_space<hbm>> -> memref<1x50x512xi32, #tpu.memory_space<hbm>>
      %dma_start3A_56 = tpu.memref_squeeze %dma_start3A_55 : memref<1x50x512xi32, #tpu.memory_space<hbm>> -> memref<50x512xi32, #tpu.memory_space<hbm>>
      %dma_start3A_57 = arith.constant 0 : i32
      %dma_start3A_58 = arith.constant 0 : i32
      %dma_start3A_59 = tpu.memref_slice %arg2[%add3A, %dma_start3A_57, %dma_start3A_58] : memref<32x50x512xi32, #tpu.memory_space<hbm>> -> memref<1x50x512xi32, #tpu.memory_space<hbm>>
      %dma_start3A_60 = tpu.memref_squeeze %dma_start3A_59 : memref<1x50x512xi32, #tpu.memory_space<hbm>> -> memref<50x512xi32, #tpu.memory_space<hbm>>
      tpu.enqueue_dma source(%dma_start3A_60 : memref<50x512xi32, #tpu.memory_space<hbm>>) target(%arg6 : memref<50x512xi32, #tpu.memory_space<vmem>>) target_semaphore(%run_scoped3A : memref<!tpu.dma_semaphore, #tpu.memory_space<semaphore_mem>>)
      %dma_wait3A_61 = arith.constant 0 : i32
      %dma_wait3A_62 = arith.constant 0 : i32
      %dma_wait3A_63 = tpu.memref_slice %arg2[%add3A, %dma_wait3A_61, %dma_wait3A_62] : memref<32x50x512xi32, #tpu.memory_space<hbm>> -> memref<1x50x512xi32, #tpu.memory_space<hbm>>
      %dma_wait3A_64 = tpu.memref_squeeze %dma_wait3A_63 : memref<1x50x512xi32, #tpu.memory_space<hbm>> -> memref<50x512xi32, #tpu.memory_space<hbm>>
      %dma_wait3A_65 = arith.constant 0 : i32
      %dma_wait3A_66 = arith.constant 0 : i32
      %dma_wait3A_67 = tpu.memref_slice %arg2[%add3A, %dma_wait3A_65, %dma_wait3A_66] : memref<32x50x512xi32, #tpu.memory_space<hbm>> -> memref<1x50x512xi32, #tpu.memory_space<hbm>>
      %dma_wait3A_68 = tpu.memref_squeeze %dma_wait3A_67 : memref<1x50x512xi32, #tpu.memory_space<hbm>> -> memref<50x512xi32, #tpu.memory_space<hbm>>
      tpu.wait_dma2 semaphore(%run_scoped3A : memref<!tpu.dma_semaphore, #tpu.memory_space<semaphore_mem>>) src(%dma_wait3A_68 : memref<50x512xi32, #tpu.memory_space<hbm>>) dst(%arg6 : memref<50x512xi32, #tpu.memory_space<vmem>>)
      tpu.yield
    }) : () -> ()
    %barrier3A = arith.constant 0 : index
    tpu.barrier barrier_id(%barrier3A)
    %dma_start3A = arith.constant 0 : i32
    %dma_start3A_5 = arith.constant 0 : i32
    %dma_start3A_6 = arith.constant 0 : i32
    %dma_start3A_7 = tpu.memref_slice %arg7[%dma_start3A_5, %dma_start3A_6] : memref<512x64xf32, #tpu.memory_space<vmem>> -> memref<128x64xf32, #tpu.memory_space<vmem>>
    %dma_start3A_8 = arith.constant 0 : i32
    %dma_start3A_9 = tpu.memref_slice %arg6[%dma_start3A, %dma_start3A_8] : memref<50x512xi32, #tpu.memory_space<vmem>> -> memref<1x128xi32, #tpu.memory_space<vmem>>
    %dma_start3A_10 = tpu.memref_squeeze %dma_start3A_9 : memref<1x128xi32, #tpu.memory_space<vmem>> -> memref<128xi32, #tpu.memory_space<vmem>>
    %dma_start3A_11 = arith.constant 0 : i32
    %dma_start3A_12 = arith.constant 0 : i32
    %dma_start3A_13 = tpu.memref_slice %arg5[%dma_start3A_11, %dma_start3A_12] : memref<1000x64xf32, #tpu.memory_space<vmem_shared>> -> memref<1000x64xf32, #tpu.memory_space<vmem_shared>>
    tpu.enqueue_indirect_dma source(%dma_start3A_13 : memref<1000x64xf32, #tpu.memory_space<vmem_shared>>) target(%dma_start3A_7 : memref<128x64xf32, #tpu.memory_space<vmem>>) offsets(%dma_start3A_10 : memref<128xi32, #tpu.memory_space<vmem>>) semaphore(%arg9 : memref<!tpu.dma_semaphore, #tpu.memory_space<semaphore_mem>>)
    %dma_start3A_14 = arith.constant 0 : i32
    %dma_start3A_15 = arith.constant 128 : i32
    %dma_start3A_16 = arith.constant 0 : i32
    %dma_start3A_17 = tpu.memref_slice %arg7[%dma_start3A_15, %dma_start3A_16] : memref<512x64xf32, #tpu.memory_space<vmem>> -> memref<128x64xf32, #tpu.memory_space<vmem>>
    %dma_start3A_18 = arith.constant 128 : i32
    %dma_start3A_19 = tpu.memref_slice %arg6[%dma_start3A_14, %dma_start3A_18] : memref<50x512xi32, #tpu.memory_space<vmem>> -> memref<1x128xi32, #tpu.memory_space<vmem>>
    %dma_start3A_20 = tpu.memref_squeeze %dma_start3A_19 : memref<1x128xi32, #tpu.memory_space<vmem>> -> memref<128xi32, #tpu.memory_space<vmem>>
    %dma_start3A_21 = arith.constant 0 : i32
    %dma_start3A_22 = arith.constant 0 : i32
    %dma_start3A_23 = tpu.memref_slice %arg5[%dma_start3A_21, %dma_start3A_22] : memref<1000x64xf32, #tpu.memory_space<vmem_shared>> -> memref<1000x64xf32, #tpu.memory_space<vmem_shared>>
    tpu.enqueue_indirect_dma source(%dma_start3A_23 : memref<1000x64xf32, #tpu.memory_space<vmem_shared>>) target(%dma_start3A_17 : memref<128x64xf32, #tpu.memory_space<vmem>>) offsets(%dma_start3A_20 : memref<128xi32, #tpu.memory_space<vmem>>) semaphore(%arg9 : memref<!tpu.dma_semaphore, #tpu.memory_space<semaphore_mem>>)
    %dma_start3A_24 = arith.constant 0 : i32
    %dma_start3A_25 = arith.constant 256 : i32
    %dma_start3A_26 = arith.constant 0 : i32
    %dma_start3A_27 = tpu.memref_slice %arg7[%dma_start3A_25, %dma_start3A_26] : memref<512x64xf32, #tpu.memory_space<vmem>> -> memref<128x64xf32, #tpu.memory_space<vmem>>
    %dma_start3A_28 = arith.constant 256 : i32
    %dma_start3A_29 = tpu.memref_slice %arg6[%dma_start3A_24, %dma_start3A_28] : memref<50x512xi32, #tpu.memory_space<vmem>> -> memref<1x128xi32, #tpu.memory_space<vmem>>
    %dma_start3A_30 = tpu.memref_squeeze %dma_start3A_29 : memref<1x128xi32, #tpu.memory_space<vmem>> -> memref<128xi32, #tpu.memory_space<vmem>>
    %dma_start3A_31 = arith.constant 0 : i32
    %dma_start3A_32 = arith.constant 0 : i32
    %dma_start3A_33 = tpu.memref_slice %arg5[%dma_start3A_31, %dma_start3A_32] : memref<1000x64xf32, #tpu.memory_space<vmem_shared>> -> memref<1000x64xf32, #tpu.memory_space<vmem_shared>>
    tpu.enqueue_indirect_dma source(%dma_start3A_33 : memref<1000x64xf32, #tpu.memory_space<vmem_shared>>) target(%dma_start3A_27 : memref<128x64xf32, #tpu.memory_space<vmem>>) offsets(%dma_start3A_30 : memref<128xi32, #tpu.memory_space<vmem>>) semaphore(%arg9 : memref<!tpu.dma_semaphore, #tpu.memory_space<semaphore_mem>>)
    %dma_start3A_34 = arith.constant 0 : i32
    %dma_start3A_35 = arith.constant 384 : i32
    %dma_start3A_36 = arith.constant 0 : i32
    %dma_start3A_37 = tpu.memref_slice %arg7[%dma_start3A_35, %dma_start3A_36] : memref<512x64xf32, #tpu.memory_space<vmem>> -> memref<128x64xf32, #tpu.memory_space<vmem>>
    %dma_start3A_38 = arith.constant 384 : i32
    %dma_start3A_39 = tpu.memref_slice %arg6[%dma_start3A_34, %dma_start3A_38] : memref<50x512xi32, #tpu.memory_space<vmem>> -> memref<1x128xi32, #tpu.memory_space<vmem>>
    %dma_start3A_40 = tpu.memref_squeeze %dma_start3A_39 : memref<1x128xi32, #tpu.memory_space<vmem>> -> memref<128xi32, #tpu.memory_space<vmem>>
    %dma_start3A_41 = arith.constant 0 : i32
    %dma_start3A_42 = arith.constant 0 : i32
    %dma_start3A_43 = tpu.memref_slice %arg5[%dma_start3A_41, %dma_start3A_42] : memref<1000x64xf32, #tpu.memory_space<vmem_shared>> -> memref<1000x64xf32, #tpu.memory_space<vmem_shared>>
    tpu.enqueue_indirect_dma source(%dma_start3A_43 : memref<1000x64xf32, #tpu.memory_space<vmem_shared>>) target(%dma_start3A_37 : memref<128x64xf32, #tpu.memory_space<vmem>>) offsets(%dma_start3A_40 : memref<128xi32, #tpu.memory_space<vmem>>) semaphore(%arg9 : memref<!tpu.dma_semaphore, #tpu.memory_space<semaphore_mem>>)
    %scan3A = arith.constant 0 : i32
    %scan3A_44 = arith.constant 0 : i32
    %scan3A_45 = arith.constant 25 : i32
    %scan3A_46 = arith.addi %scan3A_44, %scan3A_45 : i32
    %scan3A_47 = arith.constant 1 : i32
    %scan3A_48 = scf.for %scan3A_53 = %scan3A_44 to %scan3A_46 step %scan3A_47 iter_args(%scan3A_54 = %scan3A) -> (i32)  : i32 {
      %mul3A_55 = arith.constant 2 : i32
      %mul3A_56 = arith.muli %scan3A_53, %mul3A_55 : i32
      %add3A_57 = arith.constant 0 : i32
      %add3A_58 = arith.addi %mul3A_56, %add3A_57 : i32
      %ge3A = arith.constant 1 : i32
      %ge3A_59 = arith.cmpi sge, %add3A_58, %ge3A : i32
      %convert_element_type3A_60 = arith.extui %ge3A_59 : i1 to i32
      %cond3A_61 = arith.constant 0 : i32
      %cond3A_62 = arith.cmpi ne, %convert_element_type3A_60, %cond3A_61 : i32
      scf.if %cond3A_62 {
        %dma_wait3A_112 = arith.constant 0 : i32
        %dma_wait3A_113 = tpu.memref_slice %arg4[%mul3A_2, %dma_wait3A_112] : memref<819200x64xf32, #tpu.memory_space<hbm>> -> memref<512x64xf32, #tpu.memory_space<hbm>>
        %dma_wait3A_114 = arith.constant 0 : i32
        %dma_wait3A_115 = tpu.memref_slice %arg4[%mul3A_2, %dma_wait3A_114] : memref<819200x64xf32, #tpu.memory_space<hbm>> -> memref<512x64xf32, #tpu.memory_space<hbm>>
        tpu.wait_dma2 semaphore(%arg12 : memref<!tpu.dma_semaphore, #tpu.memory_space<semaphore_mem>>) src(%arg8 : memref<512x64xf32, #tpu.memory_space<vmem>>) dst(%dma_wait3A_115 : memref<512x64xf32, #tpu.memory_space<hbm>>)
      } else {
      }
      %add3A_63 = arith.constant 1 : i32
      %add3A_64 = arith.addi %add3A_58, %add3A_63 : i32
      %lt3A = arith.constant 50 : i32
      %lt3A_65 = arith.cmpi slt, %add3A_64, %lt3A : i32
      %convert_element_type3A_66 = arith.extui %lt3A_65 : i1 to i32
      %cond3A_67 = arith.constant 0 : i32
      %cond3A_68 = arith.cmpi ne, %convert_element_type3A_66, %cond3A_67 : i32
      scf.if %cond3A_68 {
        %add3A_112 = arith.constant 1 : i32
        %add3A_113 = arith.addi %add3A_58, %add3A_112 : i32
        %dma_start3A_114 = arith.constant 0 : i32
        %dma_start3A_115 = arith.constant 0 : i32
        %dma_start3A_116 = tpu.memref_slice %arg8[%dma_start3A_114, %dma_start3A_115] : memref<512x64xf32, #tpu.memory_space<vmem>> -> memref<128x64xf32, #tpu.memory_space<vmem>>
        %dma_start3A_117 = arith.constant 0 : i32
        %dma_start3A_118 = tpu.memref_slice %arg6[%add3A_113, %dma_start3A_117] : memref<50x512xi32, #tpu.memory_space<vmem>> -> memref<1x128xi32, #tpu.memory_space<vmem>>
        %dma_start3A_119 = tpu.memref_squeeze %dma_start3A_118 : memref<1x128xi32, #tpu.memory_space<vmem>> -> memref<128xi32, #tpu.memory_space<vmem>>
        %dma_start3A_120 = arith.constant 0 : i32
        %dma_start3A_121 = arith.constant 0 : i32
        %dma_start3A_122 = tpu.memref_slice %arg5[%dma_start3A_120, %dma_start3A_121] : memref<1000x64xf32, #tpu.memory_space<vmem_shared>> -> memref<1000x64xf32, #tpu.memory_space<vmem_shared>>
        tpu.enqueue_indirect_dma source(%dma_start3A_122 : memref<1000x64xf32, #tpu.memory_space<vmem_shared>>) target(%dma_start3A_116 : memref<128x64xf32, #tpu.memory_space<vmem>>) offsets(%dma_start3A_119 : memref<128xi32, #tpu.memory_space<vmem>>) semaphore(%arg10 : memref<!tpu.dma_semaphore, #tpu.memory_space<semaphore_mem>>)
        %dma_start3A_123 = arith.constant 128 : i32
        %dma_start3A_124 = arith.constant 0 : i32
        %dma_start3A_125 = tpu.memref_slice %arg8[%dma_start3A_123, %dma_start3A_124] : memref<512x64xf32, #tpu.memory_space<vmem>> -> memref<128x64xf32, #tpu.memory_space<vmem>>
        %dma_start3A_126 = arith.constant 128 : i32
        %dma_start3A_127 = tpu.memref_slice %arg6[%add3A_113, %dma_start3A_126] : memref<50x512xi32, #tpu.memory_space<vmem>> -> memref<1x128xi32, #tpu.memory_space<vmem>>
        %dma_start3A_128 = tpu.memref_squeeze %dma_start3A_127 : memref<1x128xi32, #tpu.memory_space<vmem>> -> memref<128xi32, #tpu.memory_space<vmem>>
        %dma_start3A_129 = arith.constant 0 : i32
        %dma_start3A_130 = arith.constant 0 : i32
        %dma_start3A_131 = tpu.memref_slice %arg5[%dma_start3A_129, %dma_start3A_130] : memref<1000x64xf32, #tpu.memory_space<vmem_shared>> -> memref<1000x64xf32, #tpu.memory_space<vmem_shared>>
        tpu.enqueue_indirect_dma source(%dma_start3A_131 : memref<1000x64xf32, #tpu.memory_space<vmem_shared>>) target(%dma_start3A_125 : memref<128x64xf32, #tpu.memory_space<vmem>>) offsets(%dma_start3A_128 : memref<128xi32, #tpu.memory_space<vmem>>) semaphore(%arg10 : memref<!tpu.dma_semaphore, #tpu.memory_space<semaphore_mem>>)
        %dma_start3A_132 = arith.constant 256 : i32
        %dma_start3A_133 = arith.constant 0 : i32
        %dma_start3A_134 = tpu.memref_slice %arg8[%dma_start3A_132, %dma_start3A_133] : memref<512x64xf32, #tpu.memory_space<vmem>> -> memref<128x64xf32, #tpu.memory_space<vmem>>
        %dma_start3A_135 = arith.constant 256 : i32
        %dma_start3A_136 = tpu.memref_slice %arg6[%add3A_113, %dma_start3A_135] : memref<50x512xi32, #tpu.memory_space<vmem>> -> memref<1x128xi32, #tpu.memory_space<vmem>>
        %dma_start3A_137 = tpu.memref_squeeze %dma_start3A_136 : memref<1x128xi32, #tpu.memory_space<vmem>> -> memref<128xi32, #tpu.memory_space<vmem>>
        %dma_start3A_138 = arith.constant 0 : i32
        %dma_start3A_139 = arith.constant 0 : i32
        %dma_start3A_140 = tpu.memref_slice %arg5[%dma_start3A_138, %dma_start3A_139] : memref<1000x64xf32, #tpu.memory_space<vmem_shared>> -> memref<1000x64xf32, #tpu.memory_space<vmem_shared>>
        tpu.enqueue_indirect_dma source(%dma_start3A_140 : memref<1000x64xf32, #tpu.memory_space<vmem_shared>>) target(%dma_start3A_134 : memref<128x64xf32, #tpu.memory_space<vmem>>) offsets(%dma_start3A_137 : memref<128xi32, #tpu.memory_space<vmem>>) semaphore(%arg10 : memref<!tpu.dma_semaphore, #tpu.memory_space<semaphore_mem>>)
        %dma_start3A_141 = arith.constant 384 : i32
        %dma_start3A_142 = arith.constant 0 : i32
        %dma_start3A_143 = tpu.memref_slice %arg8[%dma_start3A_141, %dma_start3A_142] : memref<512x64xf32, #tpu.memory_space<vmem>> -> memref<128x64xf32, #tpu.memory_space<vmem>>
        %dma_start3A_144 = arith.constant 384 : i32
        %dma_start3A_145 = tpu.memref_slice %arg6[%add3A_113, %dma_start3A_144] : memref<50x512xi32, #tpu.memory_space<vmem>> -> memref<1x128xi32, #tpu.memory_space<vmem>>
        %dma_start3A_146 = tpu.memref_squeeze %dma_start3A_145 : memref<1x128xi32, #tpu.memory_space<vmem>> -> memref<128xi32, #tpu.memory_space<vmem>>
        %dma_start3A_147 = arith.constant 0 : i32
        %dma_start3A_148 = arith.constant 0 : i32
        %dma_start3A_149 = tpu.memref_slice %arg5[%dma_start3A_147, %dma_start3A_148] : memref<1000x64xf32, #tpu.memory_space<vmem_shared>> -> memref<1000x64xf32, #tpu.memory_space<vmem_shared>>
        tpu.enqueue_indirect_dma source(%dma_start3A_149 : memref<1000x64xf32, #tpu.memory_space<vmem_shared>>) target(%dma_start3A_143 : memref<128x64xf32, #tpu.memory_space<vmem>>) offsets(%dma_start3A_146 : memref<128xi32, #tpu.memory_space<vmem>>) semaphore(%arg10 : memref<!tpu.dma_semaphore, #tpu.memory_space<semaphore_mem>>)
      } else {
      }
      %dma_wait3A_69 = arith.constant 0 : i32
      %dma_wait3A_70 = arith.constant 0 : i32
      %dma_wait3A_71 = tpu.memref_slice %arg5[%dma_wait3A_69, %dma_wait3A_70] : memref<1000x64xf32, #tpu.memory_space<vmem_shared>> -> memref<512x64xf32, #tpu.memory_space<vmem_shared>>
      %dma_wait3A_72 = arith.constant 0 : i32
      %dma_wait3A_73 = arith.constant 0 : i32
      %dma_wait3A_74 = tpu.memref_slice %arg5[%dma_wait3A_72, %dma_wait3A_73] : memref<1000x64xf32, #tpu.memory_space<vmem_shared>> -> memref<512x64xf32, #tpu.memory_space<vmem_shared>>
      tpu.wait_dma2 semaphore(%arg9 : memref<!tpu.dma_semaphore, #tpu.memory_space<semaphore_mem>>) src(%dma_wait3A_74 : memref<512x64xf32, #tpu.memory_space<vmem_shared>>) dst(%arg7 : memref<512x64xf32, #tpu.memory_space<vmem>>)
      %mul3A_75 = arith.constant 512 : i32
      %mul3A_76 = arith.muli %add3A_58, %mul3A_75 : i32
      %add3A_77 = arith.addi %mul3A_2, %mul3A_76 : i32
      %dma_start3A_78 = arith.constant 0 : i32
      %dma_start3A_79 = tpu.memref_slice %arg4[%add3A_77, %dma_start3A_78] : memref<819200x64xf32, #tpu.memory_space<hbm>> -> memref<512x64xf32, #tpu.memory_space<hbm>>
      %dma_start3A_80 = arith.constant 0 : i32
      %dma_start3A_81 = tpu.memref_slice %arg4[%add3A_77, %dma_start3A_80] : memref<819200x64xf32, #tpu.memory_space<hbm>> -> memref<512x64xf32, #tpu.memory_space<hbm>>
      tpu.enqueue_dma source(%arg7 : memref<512x64xf32, #tpu.memory_space<vmem>>) target(%dma_start3A_81 : memref<512x64xf32, #tpu.memory_space<hbm>>) target_semaphore(%arg11 : memref<!tpu.dma_semaphore, #tpu.memory_space<semaphore_mem>>)
      %mul3A_82 = arith.constant 2 : i32
      %mul3A_83 = arith.muli %scan3A_53, %mul3A_82 : i32
      %add3A_84 = arith.constant 1 : i32
      %add3A_85 = arith.addi %mul3A_83, %add3A_84 : i32
      %ge3A_86 = arith.constant 1 : i32
      %ge3A_87 = arith.cmpi sge, %add3A_85, %ge3A_86 : i32
      %convert_element_type3A_88 = arith.extui %ge3A_87 : i1 to i32
      %cond3A_89 = arith.constant 0 : i32
      %cond3A_90 = arith.cmpi ne, %convert_element_type3A_88, %cond3A_89 : i32
      scf.if %cond3A_90 {
        %dma_wait3A_112 = arith.constant 0 : i32
        %dma_wait3A_113 = tpu.memref_slice %arg4[%mul3A_2, %dma_wait3A_112] : memref<819200x64xf32, #tpu.memory_space<hbm>> -> memref<512x64xf32, #tpu.memory_space<hbm>>
        %dma_wait3A_114 = arith.constant 0 : i32
        %dma_wait3A_115 = tpu.memref_slice %arg4[%mul3A_2, %dma_wait3A_114] : memref<819200x64xf32, #tpu.memory_space<hbm>> -> memref<512x64xf32, #tpu.memory_space<hbm>>
        tpu.wait_dma2 semaphore(%arg11 : memref<!tpu.dma_semaphore, #tpu.memory_space<semaphore_mem>>) src(%arg7 : memref<512x64xf32, #tpu.memory_space<vmem>>) dst(%dma_wait3A_115 : memref<512x64xf32, #tpu.memory_space<hbm>>)
      } else {
      }
      %add3A_91 = arith.constant 1 : i32
      %add3A_92 = arith.addi %add3A_85, %add3A_91 : i32
      %lt3A_93 = arith.constant 50 : i32
      %lt3A_94 = arith.cmpi slt, %add3A_92, %lt3A_93 : i32
      %convert_element_type3A_95 = arith.extui %lt3A_94 : i1 to i32
      %cond3A_96 = arith.constant 0 : i32
      %cond3A_97 = arith.cmpi ne, %convert_element_type3A_95, %cond3A_96 : i32
      scf.if %cond3A_97 {
        %add3A_112 = arith.constant 1 : i32
        %add3A_113 = arith.addi %add3A_85, %add3A_112 : i32
        %dma_start3A_114 = arith.constant 0 : i32
        %dma_start3A_115 = arith.constant 0 : i32
        %dma_start3A_116 = tpu.memref_slice %arg7[%dma_start3A_114, %dma_start3A_115] : memref<512x64xf32, #tpu.memory_space<vmem>> -> memref<128x64xf32, #tpu.memory_space<vmem>>
        %dma_start3A_117 = arith.constant 0 : i32
        %dma_start3A_118 = tpu.memref_slice %arg6[%add3A_113, %dma_start3A_117] : memref<50x512xi32, #tpu.memory_space<vmem>> -> memref<1x128xi32, #tpu.memory_space<vmem>>
        %dma_start3A_119 = tpu.memref_squeeze %dma_start3A_118 : memref<1x128xi32, #tpu.memory_space<vmem>> -> memref<128xi32, #tpu.memory_space<vmem>>
        %dma_start3A_120 = arith.constant 0 : i32
        %dma_start3A_121 = arith.constant 0 : i32
        %dma_start3A_122 = tpu.memref_slice %arg5[%dma_start3A_120, %dma_start3A_121] : memref<1000x64xf32, #tpu.memory_space<vmem_shared>> -> memref<1000x64xf32, #tpu.memory_space<vmem_shared>>
        tpu.enqueue_indirect_dma source(%dma_start3A_122 : memref<1000x64xf32, #tpu.memory_space<vmem_shared>>) target(%dma_start3A_116 : memref<128x64xf32, #tpu.memory_space<vmem>>) offsets(%dma_start3A_119 : memref<128xi32, #tpu.memory_space<vmem>>) semaphore(%arg9 : memref<!tpu.dma_semaphore, #tpu.memory_space<semaphore_mem>>)
        %dma_start3A_123 = arith.constant 128 : i32
        %dma_start3A_124 = arith.constant 0 : i32
        %dma_start3A_125 = tpu.memref_slice %arg7[%dma_start3A_123, %dma_start3A_124] : memref<512x64xf32, #tpu.memory_space<vmem>> -> memref<128x64xf32, #tpu.memory_space<vmem>>
        %dma_start3A_126 = arith.constant 128 : i32
        %dma_start3A_127 = tpu.memref_slice %arg6[%add3A_113, %dma_start3A_126] : memref<50x512xi32, #tpu.memory_space<vmem>> -> memref<1x128xi32, #tpu.memory_space<vmem>>
        %dma_start3A_128 = tpu.memref_squeeze %dma_start3A_127 : memref<1x128xi32, #tpu.memory_space<vmem>> -> memref<128xi32, #tpu.memory_space<vmem>>
        %dma_start3A_129 = arith.constant 0 : i32
        %dma_start3A_130 = arith.constant 0 : i32
        %dma_start3A_131 = tpu.memref_slice %arg5[%dma_start3A_129, %dma_start3A_130] : memref<1000x64xf32, #tpu.memory_space<vmem_shared>> -> memref<1000x64xf32, #tpu.memory_space<vmem_shared>>
        tpu.enqueue_indirect_dma source(%dma_start3A_131 : memref<1000x64xf32, #tpu.memory_space<vmem_shared>>) target(%dma_start3A_125 : memref<128x64xf32, #tpu.memory_space<vmem>>) offsets(%dma_start3A_128 : memref<128xi32, #tpu.memory_space<vmem>>) semaphore(%arg9 : memref<!tpu.dma_semaphore, #tpu.memory_space<semaphore_mem>>)
        %dma_start3A_132 = arith.constant 256 : i32
        %dma_start3A_133 = arith.constant 0 : i32
        %dma_start3A_134 = tpu.memref_slice %arg7[%dma_start3A_132, %dma_start3A_133] : memref<512x64xf32, #tpu.memory_space<vmem>> -> memref<128x64xf32, #tpu.memory_space<vmem>>
        %dma_start3A_135 = arith.constant 256 : i32
        %dma_start3A_136 = tpu.memref_slice %arg6[%add3A_113, %dma_start3A_135] : memref<50x512xi32, #tpu.memory_space<vmem>> -> memref<1x128xi32, #tpu.memory_space<vmem>>
        %dma_start3A_137 = tpu.memref_squeeze %dma_start3A_136 : memref<1x128xi32, #tpu.memory_space<vmem>> -> memref<128xi32, #tpu.memory_space<vmem>>
        %dma_start3A_138 = arith.constant 0 : i32
        %dma_start3A_139 = arith.constant 0 : i32
        %dma_start3A_140 = tpu.memref_slice %arg5[%dma_start3A_138, %dma_start3A_139] : memref<1000x64xf32, #tpu.memory_space<vmem_shared>> -> memref<1000x64xf32, #tpu.memory_space<vmem_shared>>
        tpu.enqueue_indirect_dma source(%dma_start3A_140 : memref<1000x64xf32, #tpu.memory_space<vmem_shared>>) target(%dma_start3A_134 : memref<128x64xf32, #tpu.memory_space<vmem>>) offsets(%dma_start3A_137 : memref<128xi32, #tpu.memory_space<vmem>>) semaphore(%arg9 : memref<!tpu.dma_semaphore, #tpu.memory_space<semaphore_mem>>)
        %dma_start3A_141 = arith.constant 384 : i32
        %dma_start3A_142 = arith.constant 0 : i32
        %dma_start3A_143 = tpu.memref_slice %arg7[%dma_start3A_141, %dma_start3A_142] : memref<512x64xf32, #tpu.memory_space<vmem>> -> memref<128x64xf32, #tpu.memory_space<vmem>>
        %dma_start3A_144 = arith.constant 384 : i32
        %dma_start3A_145 = tpu.memref_slice %arg6[%add3A_113, %dma_start3A_144] : memref<50x512xi32, #tpu.memory_space<vmem>> -> memref<1x128xi32, #tpu.memory_space<vmem>>
        %dma_start3A_146 = tpu.memref_squeeze %dma_start3A_145 : memref<1x128xi32, #tpu.memory_space<vmem>> -> memref<128xi32, #tpu.memory_space<vmem>>
        %dma_start3A_147 = arith.constant 0 : i32
        %dma_start3A_148 = arith.constant 0 : i32
        %dma_start3A_149 = tpu.memref_slice %arg5[%dma_start3A_147, %dma_start3A_148] : memref<1000x64xf32, #tpu.memory_space<vmem_shared>> -> memref<1000x64xf32, #tpu.memory_space<vmem_shared>>
        tpu.enqueue_indirect_dma source(%dma_start3A_149 : memref<1000x64xf32, #tpu.memory_space<vmem_shared>>) target(%dma_start3A_143 : memref<128x64xf32, #tpu.memory_space<vmem>>) offsets(%dma_start3A_146 : memref<128xi32, #tpu.memory_space<vmem>>) semaphore(%arg9 : memref<!tpu.dma_semaphore, #tpu.memory_space<semaphore_mem>>)
      } else {
      }
      %dma_wait3A_98 = arith.constant 0 : i32
      %dma_wait3A_99 = arith.constant 0 : i32
      %dma_wait3A_100 = tpu.memref_slice %arg5[%dma_wait3A_98, %dma_wait3A_99] : memref<1000x64xf32, #tpu.memory_space<vmem_shared>> -> memref<512x64xf32, #tpu.memory_space<vmem_shared>>
      %dma_wait3A_101 = arith.constant 0 : i32
      %dma_wait3A_102 = arith.constant 0 : i32
      %dma_wait3A_103 = tpu.memref_slice %arg5[%dma_wait3A_101, %dma_wait3A_102] : memref<1000x64xf32, #tpu.memory_space<vmem_shared>> -> memref<512x64xf32, #tpu.memory_space<vmem_shared>>
      tpu.wait_dma2 semaphore(%arg10 : memref<!tpu.dma_semaphore, #tpu.memory_space<semaphore_mem>>) src(%dma_wait3A_103 : memref<512x64xf32, #tpu.memory_space<vmem_shared>>) dst(%arg8 : memref<512x64xf32, #tpu.memory_space<vmem>>)
      %mul3A_104 = arith.constant 512 : i32
      %mul3A_105 = arith.muli %add3A_85, %mul3A_104 : i32
      %add3A_106 = arith.addi %mul3A_2, %mul3A_105 : i32
      %dma_start3A_107 = arith.constant 0 : i32
      %dma_start3A_108 = tpu.memref_slice %arg4[%add3A_106, %dma_start3A_107] : memref<819200x64xf32, #tpu.memory_space<hbm>> -> memref<512x64xf32, #tpu.memory_space<hbm>>
      %dma_start3A_109 = arith.constant 0 : i32
      %dma_start3A_110 = tpu.memref_slice %arg4[%add3A_106, %dma_start3A_109] : memref<819200x64xf32, #tpu.memory_space<hbm>> -> memref<512x64xf32, #tpu.memory_space<hbm>>
      tpu.enqueue_dma source(%arg8 : memref<512x64xf32, #tpu.memory_space<vmem>>) target(%dma_start3A_110 : memref<512x64xf32, #tpu.memory_space<hbm>>) target_semaphore(%arg12 : memref<!tpu.dma_semaphore, #tpu.memory_space<semaphore_mem>>)
      %scan3A_111 = arith.constant 0 : i32
      scf.yield %scan3A_111 : i32
    }
    %scan3A_49 = arith.constant 25 : i32
    %dma_wait3A = arith.constant 0 : i32
    %dma_wait3A_50 = tpu.memref_slice %arg4[%mul3A_2, %dma_wait3A] : memref<819200x64xf32, #tpu.memory_space<hbm>> -> memref<512x64xf32, #tpu.memory_space<hbm>>
    %dma_wait3A_51 = arith.constant 0 : i32
    %dma_wait3A_52 = tpu.memref_slice %arg4[%mul3A_2, %dma_wait3A_51] : memref<819200x64xf32, #tpu.memory_space<hbm>> -> memref<512x64xf32, #tpu.memory_space<hbm>>
    tpu.wait_dma2 semaphore(%arg12 : memref<!tpu.dma_semaphore, #tpu.memory_space<semaphore_mem>>) src(%arg8 : memref<512x64xf32, #tpu.memory_space<vmem>>) dst(%dma_wait3A_52 : memref<512x64xf32, #tpu.memory_space<hbm>>)
    return
  }
}

</mosaic_0001>

<sc_bundles>
// kernel: kernel.3.cloned.1.call-start
scs
__scs_entry_jumppad:
0x0: {  	(pc) =	sbr.rel $0x88, $3  }
0x1: {  	(tag) =	ssettag $0x0;
	lr =	simm.s32 $0x1  }
0x2: {  	[smem:$0x3F9F] =	sst lr;
	_ =	strace $0xD0000000  }
0x3: {  	_ = 	snop  }
0x4: {  	_ = 	snop  }
0x5: {  	_ = 	snop  }
0x6: {  	_ = 	snop  }
0x7: {  	_ = 	snop  }
__scs_overlays_trampoline_lowered:
0x8: {  	[smem:$0x3FAE] =	sst s0  }
0x9: {  	[smem:$0x3FAF] =	sst s1  }
0xa: {  	[smem:$0x3FB0] =	sst s2  }
0xb: {  	[smem:$0x3FB1] =	sst s3  }
0xc: {  	[smem:$0x3FB2] =	sst s4  }
0xd: {  	[smem:$0x3FB3] =	sst s5  }
0xe: {  	[smem:$0x3FB4] =	sst s6  }
0xf: {  	[smem:$0x3FB5] =	sst s7  }
0x10: {  	[smem:$0x3FB6] =	sst s8  }
0x11: {  	[smem:$0x3FB7] =	sst s9;
	s0 =	simm.s32 @!p0 $0x0  }
0x12: {  	s1 =	sld [smem:$0x3F9D];
	s0 =	simm.s32 @p0 $0x1  }
0x13: {  	[smem:$0x3FB8] =	sst s0;
	s0 =	simm.s32 @!p1 $0x0  }
0x14: {  	s2 =	sld [smem:$0x3F9C];
	s0 =	simm.s32 @p1 $0x1  }
0x15: {  	[smem:$0x3FB9] =	sst s0;
	s0 =	simm.s32 @!p2 $0x0  }
0x16: {  	s3 =	sld [smem:$0x3FDB];
	s0 =	simm.s32 @p2 $0x1  }
0x17: {  	s4 =	simm.s32 $0x1BF5;
	[smem:$0x3FBB] =	sst s0  }
0x18: {  	s0 =	sld [smem:$0x3F9E];
	_ =	swait.ge [sflag:s4], $0x0  }
0x19: {  	s7 =	sld [smem:$0x3F9F]  }
0x1a: {  	s8 =	sadd.s32 $0xFFFFE003, lr  }
0x1b: {  	s9 =	sadd.s32 $0xFFFFFEF7, lr;
	s5 =	simm.s32 $0xFFFFFFFF;
	p2 =	slt.u32 s8, $0xFFFFF086  }
0x1c: {  	p1 =	slt.u32 s9, $0xF7A;
	s5 =	simm.s32 @!p2 $0x0  }
0x1d: {  	s5 =	simm.s32 @p1 $0x1;
	p0 =	seq.s32 s7, s2  }
0x1e: {  	s7 =	smul.u32 @!p0 $0xF7A, s2;
	p2 =	seq.s32 @!p0 s5, $0x0  }
0x1f: {  	s9 =	smul.u32 $0xF7A, s1;
	s8 =	simm.s32 @!p0 $0x1BF5;
	p2 =	por !p2, p0  }
0x20: {  	[sflag:s8] =	ssyncset.s32 @!p0 $0xFFFFF086;
	s6 =	sadd.s32 @!p0 s3, s7;
	s7 =	simm.s32 @!p0 $0x108  }
0x21: {  	s3 =	sadd.s32 s3, s9;
	s6 =	sadd.s32 @!p0 $0x88, s6;
	s7 =	simm.s32 @p2 $0x1082  }
0x22: {  	[simem:s7], [sflag:s8] =	dma.local @!p0 [hbm:s6], $0xF7A  }
0x23: {  	s9 =	sor.u32 $0xD0000000, s2;
	s6 =	simm.s32 $0x108;
	_ =	swait.ge @!p0 [sflag:s8], $0x0  }
0x24: {  	s3 =	sadd.s32 $0x88, s3;
	s6 =	simm.s32 @!p1 $0x1082;
	[sflag:s4] =	ssyncset.s32 $0xFFFFF086  }
0x25: {  	[simem:s6], [sflag:s4] =	dma.local [hbm:s3], $0xF7A  }
0x26: {  	[smem:$0x3F9F] =	sst s1;
	(tag) =	ssettag s2;
	_ =	strace s9  }
0x27: {  	s1 =	sld [smem:$0x3FAF]  }
0x28: {  	s2 =	sld [smem:$0x3FB0]  }
0x29: {  	s4 =	sld [smem:$0x3FB2]  }
0x2a: {  	p0 =	seq.s32 s5, $0x0;
	s5 =	sld [smem:$0x3FB3]  }
0x2b: {  	s6 =	sld [smem:$0x3FB4]  }
0x2c: {  	s7 =	sld [smem:$0x3FB5]  }
0x2d: {  	s3 =	simm.s32 $0x108;
	s8 =	sld [smem:$0x3FB6]  }
0x2e: {  	s3 =	simm.s32 @!p0 $0x1082;
	s9 =	sld [smem:$0x3FB7]  }
0x2f: {  	lr =	sadd.s32 s0, s3;
	s0 =	sld [smem:$0x3FAE]  }
0x30: {  	s3 =	sld [smem:$0x3FB1]  }
0x31: {  	[smem:$0x3FBA] =	sst s10  }
0x32: {  	s10 =	sld [smem:$0x3FB8];
	_ =	sdelay $0x3  }
0x33: {  	p0 =	seq.s32 s10, $0x1;
	s10 =	sld [smem:$0x3FBA];
	_ =	sdelay $0x3  }
0x34: {  	[smem:$0x3FBA] =	sst s10  }
0x35: {  	s10 =	sld [smem:$0x3FB9];
	_ =	sdelay $0x3  }
0x36: {  	p1 =	seq.s32 s10, $0x1;
	s10 =	sld [smem:$0x3FBA];
	_ =	sdelay $0x3  }
0x37: {  	[smem:$0x3FBA] =	sst s10  }
0x38: {  	s10 =	sld [smem:$0x3FBB]  }
0x39: {  	_ = 	snop;
	(pc) =	sbr.ind lr, $3  }
0x3a: {  	_ = 	snop  }
0x3b: {  	_ = 	snop  }
0x3c: {  	p2 =	seq.s32 s10, $0x1;
	s10 =	sld [smem:$0x3FBA]  }
0x3d: {  	_ =	shalt  }
0x3e: {  	_ =	shalt  }
0x3f: {  	_ =	shalt  }
0x40: {  	_ =	shalt  }
0x41: {  	_ =	shalt  }
0x42: {  	_ =	shalt  }
0x43: {  	_ =	shalt  }
0x44: {  	_ =	shalt  }
0x45: {  	_ =	shalt  }
0x46: {  	_ =	shalt  }
0x47: {  	_ =	shalt  }
0x48: {  	_ =	shalt  }
0x49: {  	_ =	shalt  }
0x4a: {  	_ =	shalt  }
0x4b: {  	_ =	shalt  }
0x4c: {  	_ =	shalt  }
0x4d: {  	_ =	shalt  }
0x4e: {  	_ =	shalt  }
0x4f: {  	_ =	shalt  }
0x50: {  	_ =	shalt  }
0x51: {  	_ =	shalt  }
0x52: {  	_ =	shalt  }
0x53: {  	_ =	shalt  }
0x54: {  	_ =	shalt  }
0x55: {  	_ =	shalt  }
0x56: {  	_ =	shalt  }
0x57: {  	_ =	shalt  }
0x58: {  	_ =	shalt  }
0x59: {  	_ =	shalt  }
0x5a: {  	_ =	shalt  }
0x5b: {  	_ =	shalt  }
0x5c: {  	_ =	shalt  }
0x5d: {  	_ =	shalt  }
0x5e: {  	_ =	shalt  }
0x5f: {  	_ =	shalt  }
0x60: {  	_ =	shalt  }
0x61: {  	_ =	shalt  }
0x62: {  	_ =	shalt  }
0x63: {  	_ =	shalt  }
0x64: {  	_ =	shalt  }
0x65: {  	_ =	shalt  }
0x66: {  	_ =	shalt  }
0x67: {  	_ =	shalt  }
0x68: {  	_ =	shalt  }
0x69: {  	_ =	shalt  }
0x6a: {  	_ =	shalt  }
0x6b: {  	_ =	shalt  }
0x6c: {  	_ =	shalt  }
0x6d: {  	_ =	shalt  }
0x6e: {  	_ =	shalt  }
0x6f: {  	_ =	shalt  }
0x70: {  	_ =	shalt  }
0x71: {  	_ =	shalt  }
0x72: {  	_ =	shalt  }
0x73: {  	_ =	shalt  }
0x74: {  	_ =	shalt  }
0x75: {  	_ =	shalt  }
0x76: {  	_ =	shalt  }
0x77: {  	_ =	shalt  }
0x78: {  	_ =	shalt  }
0x79: {  	_ =	shalt  }
0x7a: {  	_ =	shalt  }
0x7b: {  	_ =	shalt  }
0x7c: {  	_ =	shalt  }
0x7d: {  	_ =	shalt  }
0x7e: {  	_ =	shalt  }
0x7f: {  	_ =	shalt  }
0x80: {  	_ =	shalt  }
0x81: {  	_ =	shalt  }
0x82: {  	_ =	shalt  }
0x83: {  	_ =	shalt  }
0x84: {  	_ =	shalt  }
0x85: {  	_ =	shalt  }
0x86: {  	_ =	shalt  }
0x87: {  	_ =	shalt  }
.Lfunc_end0:
.L_simem_size_0:
called_computation.1_lowered:
.L_overlay_start_0:
0x88: {  	s2 =	sld [smem:$0x3FD9]  }
0x89: {  	s3 =	sld [smem:$0x3FFE];
	_ =	sdelay $0x1  }
0x8a: {  	s1 =	srdreg.scid  }
0x8b: {  	s0 =	sand.u32 $0x1, s1  }
0x8c: {  	s17 =	sshll.u32 s0, $0xA;
	s2 =	sadd.s32 s3, s2  }
0x8d: {  	s2 =	sadd.s32 s2, s17  }
0x8e: {  	[smem:$0x3FC6] =	sst s2  }
0x8f: {  	_ = 	snop  }
0x90: {  	s2 =	sld [smem:$0x3FD0];
	(tm) =	ssettm $0x1  }
0x91: {  	s18 =	sld [smem:$0x3FFB];
	_ =	sdelay $0x3  }
0x92: {  	_ =	strace s18  }
0x93: {  	s3 =	sld [smem:$0x3FFC];
	_ =	sdelay $0x3  }
0x94: {  	_ =	strace s3  }
0x95: {  	s3 =	sld [smem:$0x3FFD];
	_ =	sdelay $0x3  }
0x96: {  	_ =	strace s3  }
0x97: {  	_ =	strace $0x8FFFFFFF  }
0x98: {  	s19 =	sld [smem:$0x3FDB];
	_ =	sdelay $0x1  }
0x99: {  	s4 =	simm.s32 $_scs_section_size  }
0x9a: {  	s5 =	simm.s32 $_size__tile_overlayer_lowered;
	s6 =	simm.s32 $_tile_overlayer_lowered  }
0x9b: {  	s22 =	simm.s32 $0x1BFF;
	s21 =	sshll.u32 s6, $0x1;
	s3 =	sadd.s32 s4, s19  }
0x9c: {  	s7 =	simm.s32 $0x0;
	s20 =	sshll.u32 s5, $0x1;
	s5 =	sadd.s32 s21, s3  }
0x9d: {  	[timem:s7], [sflag:s22] =	dma.local [hbm:s5], s20  }
0x9e: {  	_ =	swait.ge [sflag:s22], s20  }
0x9f: {  	s4 =	ssub.s32 $0x0, s20;
	[sflag:s22] =	ssyncset.done $0x0  }
0xa0: {  	[sflag:s22] =	ssyncadd.s32 s4;
	_ =	sdelay $0x1  }
0xa1: {  	s23 =	simm.s32 $0x1B8B  }
0xa2: {  	_ =	swait.ge [sflag:s23], $0x1  }
0xa3: {  	[sflag:s23] =	ssyncset.done $0x0  }
0xa4: {  	s25 =	simm.s32 $0x1B8E;
	s24 =	sld [smem:$0x3FFE];
	[sflag:s23] =	ssyncadd.s32 $0xFFFFFFFF  }
0xa5: {  	s26 =	simm.s32 $execute0_lowered;
	[smem:$0x3FD2] =	sst s25  }
0xa6: {  	s5 =	sshll.u32 s26, $0x1;
	_ =	strace $0x80000046;
	[dreg:$0x1] =	wrdreg $0xFFFFFFFF  }
0xa7: {  	s28 =	simm.s32 $_size_execute0_lowered;
	s3 =	sadd.s32 s3, s5;
	[dreg:$0x0] =	wrdreg $0x0  }
0xa8: {  	s5 =	sshll.u32 s28, $0x1;
	[dreg:$0x2] =	wrdreg s3  }
0xa9: {  	[dreg:$0x3] =	wrdreg s5  }
0xaa: {  	[dreg:$0x4] =	wrdreg $0xC0  }
0xab: {  	_ =	task [dreg:s7], $0x5FFFF  }
0xac: {  	[dreg:$0x1] =	wrdreg $0xFFFFFFFF  }
0xad: {  	[dreg:$0x0] =	wrdreg $0x60  }
0xae: {  	[dreg:$0x2] =	wrdreg s24  }
0xaf: {  	[dreg:$0x3] =	wrdreg s2  }
0xb0: {  	[dreg:$0x4] =	wrdreg $0x0  }
0xb1: {  	[dreg:$0x5] =	wrdreg $0x9  }
0xb2: {  	_ =	task.clear_ibuf [dreg:s7], $0x6FFFF;
	_ =	strace $0x90000046  }
0xb3: {  	s29 =	simm.s32 $0x9;
	_ =	strace $0x80000048  }
0xb4: {  	_ =	swait.ge [sflag:s29], $0x1  }
0xb5: {  	[sflag:s29] =	ssyncadd.s32 $0xFFFFFFFF  }
0xb6: {  	_ =	strace $0x90000048  }
0xb7: {  	_ =	sfence  }
0xb8: {  	s30 =	sld [smem:$0x0];
	_ =	sdelay $0x2  }
0xb9: {  	s31 =	sshll.u32 s1, $0xD;
	s1 =	sshrl.u32 s1, $0x2  }
0xba: {  	s3 =	sand.u32 $0x4000, s31;
	s1 =	sadd.s32 s1, s30  }
0xbb: {  	s0 =	sor.u32 s3, s0;
	s1 =	sshll.u32 s1, $0x11  }
0xbc: {  	s0 =	sor.u32 s1, s0  }
0xbd: {  	s0 =	sadd.s32 $0x8F2B, s0  }
0xbe: {  	[sflag:s0] =	ssyncadd.remote.s32 $0x1  }
0xbf: {  	_ =	sfence.sel $0xFFFF  }
0xc0: {  	[dreg:$0x0] =	wrdreg $0xFFFFFFFF;
	(pc) =	sbr.abs _section_cstart, $3  }
0xc1: {  	[dreg:$0x1] =	wrdreg $0xFFFFFFFF  }
0xc2: {  	_ =	task.clear_ibuf [dreg:s7], $0x2FFFF;
	_ =	strace $0x9FFFFFFF  }
0xc3: {  	(tm) =	ssettm $0x7FFFFFFF  }
tec
execute0_lowered:
.L_overlay_start_1:
0x0: {  	(tag) =	ssettag $0x1  }
0x1: {  	s0 =	rddreg [dreg:$0x0]  }
0x2: {  	s2 =	srdreg.scid;
	s4 =	stileid.u32  }
0x3: {  	s1 =	rddreg [dreg:$0x1];
	s14 =	simm.s32 $0xFA0;
	s15 =	simm.s32 $0x5  }
0x4: {  	s16 =	simm.s32 $0x80;
	s17 =	simm.s32 $0x73A0;
	s19 =	simm.s32 $0x93A0  }
0x5: {  	s21 =	simm.s32 $0xB3A0;
	s23 =	simm.s32 $0xD3A0;
	s28 =	simm.s32 $0x113A0  }
0x6: {  	s30 =	simm.s32 $0x133A0;
	s18 =	simm.s32 $0x1;
	s20 =	simm.s32 $0x3  }
0x7: {  	s31 =	simm.s32 $0x2;
	s22 =	simm.s32 $0x4;
	s5 =	sand.u32 $0x1, s2  }
0x8: {  	s3 =	sshll.u32 s4, $0x1;
	s2 =	rddreg [dreg:$0x2];
	s9 =	smul.u32 $0x320000, s4  }
0x9: {  	s6 =	sor.u32 s5, s3;
	s24 =	ssub.s32 $0x2, s5;
	s5 =	smul.u32 $0x190000, s5  }
0xa: {  	p0 =	sne.s32 s4, $0x0;
	s3 =	simm.s32 $0x0;
	s7 =	smul.u32 $0xC80, s6  }
0xb: {  	s13 =	sshrl.u32 @!p0 s2, $0x3;
	[smem:$0x7FF] =	sst s3;
	s6 =	smul.u32 $0x190000, s6  }
0xc: {  	s8 =	sshrl.u32 s24, $0x1;
	_ =	strace $0x80000047;
	s26 =	sadd.s32 s5, s9  }
0xd: {  	s7 =	sadd.s32 s7, s0;
	s0 =	sadd.s32 $0x800, s0;
	s6 =	sshrl.u32 s6, $0x3  }
0xe: {  	s5 =	sadd.s32 $0x18000, s26;
	s11 =	sadd.s32 $0x10000, s26;
	s26 =	simm.s32 $0x0  }
0xf: {  	[dreg:$0x4] =	wrdreg s0;
	s0 =	ssub.s32 s24, s8;
	s7 =	sadd.s32 $0x2800, s7  }
0x10: {  	s6 =	sadd.s32 s1, s6;
	s29 =	sshrl.u32 s5, $0x3;
	[dreg:$0x5] =	wrdreg s7  }
0x11: {  	s0 =	smax.u32 s0, $0x1;
	s25 =	sadd.s32 $0x1000, s6;
	s9 =	sadd.s32 $0x30000, s6  }
0x12: {  	s10 =	sadd.s32 $0x31000, s6;
	s5 =	sadd.s32 s29, s1;
	[dreg:$0x6] =	wrdreg s0  }
0x13: {  	[dreg:$0x7] =	wrdreg s25;
	s25 =	simm.s32 $0xF3A0;
	s0 =	simm.s32 $0x153A0  }
.LBB2_1:
0x14: {  	s4 =	simm.s32 @!p0 $0x1C05;
	s7 =	rddreg [dreg:$0x4]  }
0x15: {  	[spmem:s13], [sflag:s4] =	dma.local @!p0 [hbm:s7], $0x1F40  }
0x16: {  	s4 =	simm.s32 @!p0 $0x5  }
0x17: {  	_ =	swait.ge @!p0 [sflag:s4], $0x1F40  }
0x18: {  	[sflag:s4] =	ssyncset.done @!p0 $0x0  }
0x19: {  	s12 =	rddreg [dreg:$0x5];
	[sflag:s4] =	ssyncadd.s32 @!p0 $0xFFFFE0C0  }
0x1a: {  	[tilespmem:s14], [sflag:$0x5] =	stream.linear.gather [hbm4b:s12+s3], $0x6400, $0x38;
	[tilespmem:$0x173A0] =	vst v63  }
0x1b: {  	_ =	swait.ge [sflag:s15], $0x6400  }
0x1c: {  	[sflag:s15] =	ssyncset.done $0x0  }
0x1d: {  	[sflag:s15] =	ssyncadd.s32 $0xFFFF9C00  }
0x1e: {  	[bflag:$0x0] =	sbarrier.arrive $0xFFFF  }
0x1f: {  	[tilespmem:s17], [sflag:$0x1] =	stream.indirect.gather [spmem:s2], $0x40, s14, s16, $0xb8;
	[tilespmem:$0x173A0] =	vst v63  }
0x20: {  	s24 =	simm.s32 $0x1020  }
0x21: {  	[tilespmem:s19], [sflag:$0x1] =	stream.indirect.gather [spmem:s2], $0x40, s24, s16, $0xb8;
	[tilespmem:$0x173A0] =	vst v63  }
0x22: {  	s7 =	simm.s32 $0x10A0  }
0x23: {  	[tilespmem:s21], [sflag:$0x1] =	stream.indirect.gather [spmem:s2], $0x40, s7, s16, $0xb8;
	[tilespmem:$0x173A0] =	vst v63  }
0x24: {  	s8 =	simm.s32 $0x1120  }
0x25: {  	[tilespmem:s23], [sflag:$0x1] =	stream.indirect.gather [spmem:s2], $0x40, s8, s16, $0xb8;
	[tilespmem:$0x173A0] =	vst v63  }
0x26: {  	s12 =	simm.s32 $0x11A0  }
0x27: {  	[tilespmem:s25], [sflag:$0x2] =	stream.indirect.gather [spmem:s2], $0x40, s12, s16, $0xb8;
	[tilespmem:$0x173A0] =	vst v63  }
0x28: {  	s24 =	simm.s32 $0x1220  }
0x29: {  	[tilespmem:s28], [sflag:$0x2] =	stream.indirect.gather [spmem:s2], $0x40, s24, s16, $0xb8;
	[tilespmem:$0x173A0] =	vst v63  }
0x2a: {  	s7 =	simm.s32 $0x12A0  }
0x2b: {  	[tilespmem:s30], [sflag:$0x2] =	stream.indirect.gather [spmem:s2], $0x40, s7, s16, $0xb8;
	[tilespmem:$0x173A0] =	vst v63  }
0x2c: {  	s8 =	simm.s32 $0x1320  }
0x2d: {  	[tilespmem:s0], [sflag:$0x2] =	stream.indirect.gather [spmem:s2], $0x40, s8, s16, $0xb8;
	[tilespmem:$0x173A0] =	vst v63  }
0x2e: {  	_ =	swait.ge [sflag:s18], $0x8000  }
0x2f: {  	[sflag:s18] =	ssyncset.done $0x0  }
0x30: {  	[sflag:s18] =	ssyncadd.s32 $0xFFFF8000  }
0x31: {  	[hbm4b:s6+s3] =	stream.linear.scatter [tilespmem:s17], [sflag:$0x3], $0x8000, $0x38;
	[tilespmem:$0x173A0] =	vst v63  }
0x32: {  	_ =	swait.ge [sflag:s20], $0x8000  }
0x33: {  	[sflag:s20] =	ssyncset.done $0x0  }
0x34: {  	s12 =	simm.s32 $0x13A0;
	[sflag:s20] =	ssyncadd.s32 $0xFFFF8000  }
0x35: {  	[tilespmem:s17], [sflag:$0x1] =	stream.indirect.gather [spmem:s2], $0x40, s12, s16, $0xb8;
	[tilespmem:$0x173A0] =	vst v63  }
0x36: {  	s24 =	simm.s32 $0x1420  }
0x37: {  	[tilespmem:s19], [sflag:$0x1] =	stream.indirect.gather [spmem:s2], $0x40, s24, s16, $0xb8;
	[tilespmem:$0x173A0] =	vst v63  }
0x38: {  	s7 =	simm.s32 $0x14A0  }
0x39: {  	[tilespmem:s21], [sflag:$0x1] =	stream.indirect.gather [spmem:s2], $0x40, s7, s16, $0xb8;
	[tilespmem:$0x173A0] =	vst v63  }
0x3a: {  	s8 =	simm.s32 $0x1520  }
0x3b: {  	[tilespmem:s23], [sflag:$0x1] =	stream.indirect.gather [spmem:s2], $0x40, s8, s16, $0xb8;
	[tilespmem:$0x173A0] =	vst v63  }
0x3c: {  	_ =	swait.ge [sflag:s31], $0x8000  }
0x3d: {  	[sflag:s31] =	ssyncset.done $0x0  }
0x3e: {  	s12 =	rddreg [dreg:$0x7];
	[sflag:s31] =	ssyncadd.s32 $0xFFFF8000  }
0x3f: {  	[hbm4b:s12+s3] =	stream.linear.scatter [tilespmem:s25], [sflag:$0x4], $0x8000, $0x38;
	[tilespmem:$0x173A0] =	vst v63  }
0x40: {  	_ =	swait.ge [sflag:s22], $0x8000  }
0x41: {  	[sflag:s22] =	ssyncset.done $0x0  }
0x42: {  	s24 =	simm.s32 $0x15A0;
	[sflag:s22] =	ssyncadd.s32 $0xFFFF8000  }
0x43: {  	[tilespmem:s25], [sflag:$0x2] =	stream.indirect.gather [spmem:s2], $0x40, s24, s16, $0xb8;
	[tilespmem:$0x173A0] =	vst v63  }
0x44: {  	s7 =	simm.s32 $0x1620  }
0x45: {  	[tilespmem:s28], [sflag:$0x2] =	stream.indirect.gather [spmem:s2], $0x40, s7, s16, $0xb8;
	[tilespmem:$0x173A0] =	vst v63  }
0x46: {  	s8 =	simm.s32 $0x16A0  }
0x47: {  	[tilespmem:s30], [sflag:$0x2] =	stream.indirect.gather [spmem:s2], $0x40, s8, s16, $0xb8;
	[tilespmem:$0x173A0] =	vst v63  }
0x48: {  	s12 =	simm.s32 $0x1720  }
0x49: {  	[tilespmem:s0], [sflag:$0x2] =	stream.indirect.gather [spmem:s2], $0x40, s12, s16, $0xb8;
	[tilespmem:$0x173A0] =	vst v63  }
0x4a: {  	_ =	swait.ge [sflag:s18], $0x8000  }
0x4b: {  	s24 =	sshrl.u32 s11, $0x3;
	[sflag:s18] =	ssyncset.done $0x0  }
0x4c: {  	s4 =	sadd.s32 s1, s24;
	[sflag:s18] =	ssyncadd.s32 $0xFFFF8000  }
0x4d: {  	[hbm4b:s4+s3] =	stream.linear.scatter [tilespmem:s17], [sflag:$0x3], $0x8000, $0x38;
	[tilespmem:$0x173A0] =	vst v63  }
0x4e: {  	_ =	swait.ge [sflag:s20], $0x8000  }
0x4f: {  	[sflag:s20] =	ssyncset.done $0x0  }
0x50: {  	s7 =	simm.s32 $0x17A0;
	[sflag:s20] =	ssyncadd.s32 $0xFFFF8000  }
0x51: {  	[tilespmem:s17], [sflag:$0x1] =	stream.indirect.gather [spmem:s2], $0x40, s7, s16, $0xb8;
	[tilespmem:$0x173A0] =	vst v63  }
0x52: {  	s8 =	simm.s32 $0x1820  }
0x53: {  	[tilespmem:s19], [sflag:$0x1] =	stream.indirect.gather [spmem:s2], $0x40, s8, s16, $0xb8;
	[tilespmem:$0x173A0] =	vst v63  }
0x54: {  	s12 =	simm.s32 $0x18A0  }
0x55: {  	[tilespmem:s21], [sflag:$0x1] =	stream.indirect.gather [spmem:s2], $0x40, s12, s16, $0xb8;
	[tilespmem:$0x173A0] =	vst v63  }
0x56: {  	s24 =	simm.s32 $0x1920  }
0x57: {  	[tilespmem:s23], [sflag:$0x1] =	stream.indirect.gather [spmem:s2], $0x40, s24, s16, $0xb8;
	[tilespmem:$0x173A0] =	vst v63  }
0x58: {  	_ =	swait.ge [sflag:s31], $0x8000  }
0x59: {  	s29 =	simm.s32 $0x1000;
	s4 =	sadd.s32 $0x2000, s5;
	[sflag:s31] =	ssyncset.done $0x0  }
0x5a: {  	s12 =	smov.u32 s5;
	s24 =	sadd.s32 $0x10000, s11;
	[sflag:s31] =	ssyncadd.s32 $0xFFFF8000  }
.LBB2_2:
0x5b: {  	[hbm4b:s12+s3] =	stream.linear.scatter [tilespmem:s25], [sflag:$0x4], $0x8000, $0x38;
	[tilespmem:$0x173A0] =	vst v63  }
0x5c: {  	s7 =	smov.u32 s29;
	s12 =	smov.u32 s4  }
0x5d: {  	p1 =	sne.s32 s29, $0x16000;
	s29 =	sadd.s32 $0x1000, s29;
	_ =	swait.ge [sflag:s22], $0x8000  }
0x5e: {  	s7 =	sshra.s32 s7, $0x2;
	[sflag:s22] =	ssyncset.done $0x0  }
0x5f: {  	s8 =	sadd.s32 $0x15A0, s7;
	[sflag:s22] =	ssyncadd.s32 $0xFFFF8000  }
0x60: {  	[tilespmem:s25], [sflag:$0x2] =	stream.indirect.gather [spmem:s2], $0x40, s8, s16, $0xb8;
	[tilespmem:$0x173A0] =	vst v63  }
0x61: {  	s8 =	sadd.s32 $0x1620, s7  }
0x62: {  	[tilespmem:s28], [sflag:$0x2] =	stream.indirect.gather [spmem:s2], $0x40, s8, s16, $0xb8;
	[tilespmem:$0x173A0] =	vst v63  }
0x63: {  	s8 =	sadd.s32 $0x16A0, s7  }
0x64: {  	[tilespmem:s30], [sflag:$0x2] =	stream.indirect.gather [spmem:s2], $0x40, s8, s16, $0xb8;
	[tilespmem:$0x173A0] =	vst v63  }
0x65: {  	s8 =	sadd.s32 $0x1720, s7  }
0x66: {  	[tilespmem:s0], [sflag:$0x2] =	stream.indirect.gather [spmem:s2], $0x40, s8, s16, $0xb8;
	[tilespmem:$0x173A0] =	vst v63  }
0x67: {  	_ =	swait.ge [sflag:s18], $0x8000  }
0x68: {  	s8 =	sshrl.u32 s24, $0x3;
	[sflag:s18] =	ssyncset.done $0x0  }
0x69: {  	s8 =	sadd.s32 s1, s8;
	[sflag:s18] =	ssyncadd.s32 $0xFFFF8000  }
0x6a: {  	[hbm4b:s8+s3] =	stream.linear.scatter [tilespmem:s17], [sflag:$0x3], $0x8000, $0x38;
	[tilespmem:$0x173A0] =	vst v63  }
0x6b: {  	_ =	swait.ge [sflag:s20], $0x8000  }
0x6c: {  	[sflag:s20] =	ssyncset.done $0x0  }
0x6d: {  	s8 =	sadd.s32 $0x17A0, s7;
	[sflag:s20] =	ssyncadd.s32 $0xFFFF8000  }
0x6e: {  	[tilespmem:s17], [sflag:$0x1] =	stream.indirect.gather [spmem:s2], $0x40, s8, s16, $0xb8;
	[tilespmem:$0x173A0] =	vst v63  }
0x6f: {  	s8 =	sadd.s32 $0x1820, s7  }
0x70: {  	[tilespmem:s19], [sflag:$0x1] =	stream.indirect.gather [spmem:s2], $0x40, s8, s16, $0xb8;
	[tilespmem:$0x173A0] =	vst v63  }
0x71: {  	s8 =	sadd.s32 $0x18A0, s7  }
0x72: {  	[tilespmem:s21], [sflag:$0x1] =	stream.indirect.gather [spmem:s2], $0x40, s8, s16, $0xb8;
	[tilespmem:$0x173A0] =	vst v63  }
.Ltmp0:
0x73: {  	s7 =	sadd.s32 $0x1920, s7;
	(pc) =	sbr.rel @p1 .LBB2_2-.Ltmp0, $4  }
0x74: {  	[tilespmem:s23], [sflag:$0x1] =	stream.indirect.gather [spmem:s2], $0x40, s7, s16, $0xb8;
	[tilespmem:$0x173A0] =	vst v63  }
0x75: {  	_ =	swait.ge [sflag:s31], $0x8000  }
0x76: {  	[sflag:s31] =	ssyncset.done $0x0  }
0x77: {  	s4 =	sadd.s32 $0x2000, s4;
	s24 =	sadd.s32 $0x10000, s24;
	[sflag:s31] =	ssyncadd.s32 $0xFFFF8000  }
0x78: {  	[hbm4b:s12+s3] =	stream.linear.scatter [tilespmem:s25], [sflag:$0x4], $0x8000, $0x38;
	[tilespmem:$0x173A0] =	vst v63  }
0x79: {  	_ =	swait.ge [sflag:s22], $0x8000  }
0x7a: {  	[sflag:s22] =	ssyncset.done $0x0  }
0x7b: {  	s4 =	simm.s32 $0x71A0;
	[sflag:s22] =	ssyncadd.s32 $0xFFFF8000  }
0x7c: {  	[tilespmem:s25], [sflag:$0x2] =	stream.indirect.gather [spmem:s2], $0x40, s4, s16, $0xb8;
	[tilespmem:$0x173A0] =	vst v63  }
0x7d: {  	s8 =	simm.s32 $0x7220  }
0x7e: {  	[tilespmem:s28], [sflag:$0x2] =	stream.indirect.gather [spmem:s2], $0x40, s8, s16, $0xb8;
	[tilespmem:$0x173A0] =	vst v63  }
0x7f: {  	s12 =	simm.s32 $0x72A0  }
0x80: {  	[tilespmem:s30], [sflag:$0x2] =	stream.indirect.gather [spmem:s2], $0x40, s12, s16, $0xb8;
	[tilespmem:$0x173A0] =	vst v63  }
0x81: {  	s24 =	simm.s32 $0x7320  }
0x82: {  	[tilespmem:s0], [sflag:$0x2] =	stream.indirect.gather [spmem:s2], $0x40, s24, s16, $0xb8;
	[tilespmem:$0x173A0] =	vst v63  }
0x83: {  	_ =	swait.ge [sflag:s18], $0x8000  }
0x84: {  	[sflag:s18] =	ssyncset.done $0x0  }
0x85: {  	[sflag:s18] =	ssyncadd.s32 $0xFFFF8000  }
0x86: {  	[hbm4b:s9+s3] =	stream.linear.scatter [tilespmem:s17], [sflag:$0x3], $0x8000, $0x38;
	[tilespmem:$0x173A0] =	vst v63  }
0x87: {  	_ =	swait.ge [sflag:s20], $0x8000  }
0x88: {  	[sflag:s20] =	ssyncset.done $0x0  }
0x89: {  	[sflag:s20] =	ssyncadd.s32 $0xFFFF8000  }
0x8a: {  	_ =	swait.ge [sflag:s31], $0x8000  }
0x8b: {  	[sflag:s31] =	ssyncset.done $0x0  }
0x8c: {  	[sflag:s31] =	ssyncadd.s32 $0xFFFF8000  }
0x8d: {  	[hbm4b:s10+s3] =	stream.linear.scatter [tilespmem:s25], [sflag:$0x4], $0x8000, $0x38;
	[tilespmem:$0x173A0] =	vst v63  }
0x8e: {  	_ =	swait.ge [sflag:s22], $0x8000  }
0x8f: {  	s26 =	sadd.s32 $0x1, s26;
	s29 =	rddreg [dreg:$0x6]  }
0x90: {  	p1 =	sne.s32 s26, s29  }
.Ltmp1:
0x91: {  	_ = 	snop;
	(pc) =	sbr.rel @p1 .LBB2_1-.Ltmp1, $3  }
0x92: {  	_ =	sdelay $0x1  }
0x93: {  	[sflag:s22] =	ssyncset.done $0x0  }
0x94: {  	[sflag:s22] =	ssyncadd.s32 $0xFFFF8000  }
0x95: {  	_ =	sfence.sel $0x180000  }
0x96: {  	[bflag:$0x0] =	sbarrier.arrive $0xFFFF  }
0x97: {  	_ =	strace $0x90000047  }
0x98: {  	[bflag:$0x2] =	sbarrier.arrive $0xFFFF  }
0x99: {  	s0 =	rddreg [dreg:$0x3]  }
0x9a: {  	s0 =	sadd.s32 @!p0 $0x100000, s0  }
0x9b: {  	[sflag:s0] =	ssyncadd.tile.s32 @!p0 $0x1;
	_ =	shalt  }
.Lfunc_end2:
_tile_overlayer_lowered:
.L_overlay_start_2:
0x9c: {  	(tag) =	ssettag $0x2  }
0x9d: {  	s0 =	rddreg [dreg:$0x0];
	s2 =	stileid.u32  }
0x9e: {  	s1 =	rddreg [dreg:$0x1];
	p0 =	sne.s32 s2, $0x0  }
0x9f: {  	s3 =	rddreg [dreg:$0x2];
	[bflag:$0x3] =	sbarrier.arrive $0xFFFF;
	s2 =	simm.s32 @!p0 $0x1C05  }
0xa0: {  	[timem:s3], [sflag:s2] =	dma.local @!p0 [hbm:s0], s1  }
0xa1: {  	s0 =	simm.s32 @!p0 $0x5  }
0xa2: {  	_ =	swait.ge @!p0 [sflag:s0], s1  }
0xa3: {  	s1 =	ssub.s32 @!p0 $0x0, s1;
	[sflag:s0] =	ssyncset.done @!p0 $0x0  }
0xa4: {  	[sflag:s0] =	ssyncadd.s32 @!p0 s1  }
0xa5: {  	[bflag:$0x3] =	sbarrier.arrive $0xFFFF  }
0xa6: {  	_ =	shalt  }

// kernel: sparse-core-data-format-call.cloned.1.call-start
scs
called_computation_lowered:
.L_overlay_start_0:
0x0: {  	s2 =	sld [smem:$0x3FD9]  }
0x1: {  	s3 =	sld [smem:$0x3FFE];
	_ =	sdelay $0x1  }
0x2: {  	s1 =	srdreg.scid  }
0x3: {  	s0 =	sand.u32 $0x1, s1  }
0x4: {  	s18 =	sshll.u32 s0, $0xA;
	s2 =	sadd.s32 s3, s2  }
0x5: {  	s2 =	sadd.s32 s2, s18  }
0x6: {  	[smem:$0x3FC6] =	sst s2  }
0x7: {  	_ = 	snop  }
0x8: {  	s2 =	sld [smem:$0x3FD0];
	(tm) =	ssettm $0x1  }
0x9: {  	s19 =	sld [smem:$0x3FFB];
	_ =	sdelay $0x3  }
0xa: {  	_ =	strace s19  }
0xb: {  	s3 =	sld [smem:$0x3FFC];
	_ =	sdelay $0x3  }
0xc: {  	_ =	strace s3  }
0xd: {  	s3 =	sld [smem:$0x3FFD];
	_ =	sdelay $0x3  }
0xe: {  	_ =	strace s3  }
0xf: {  	_ =	strace $0x8FFFFFFF  }
0x10: {  	s20 =	sld [smem:$0x3FDB];
	_ =	sdelay $0x1  }
0x11: {  	s4 =	simm.s32 $_scs_section_size  }
0x12: {  	s5 =	simm.s32 $_size__tile_overlayer_lowered;
	s6 =	simm.s32 $_tile_overlayer_lowered  }
0x13: {  	s23 =	simm.s32 $0x1BFF;
	s22 =	sshll.u32 s6, $0x1;
	s3 =	sadd.s32 s4, s20  }
0x14: {  	s7 =	simm.s32 $0x0;
	s21 =	sshll.u32 s5, $0x1;
	s5 =	sadd.s32 s22, s3  }
0x15: {  	[timem:s7], [sflag:s23] =	dma.local [hbm:s5], s21  }
0x16: {  	_ =	swait.ge [sflag:s23], s21  }
0x17: {  	s4 =	ssub.s32 $0x0, s21;
	[sflag:s23] =	ssyncset.done $0x0  }
0x18: {  	[sflag:s23] =	ssyncadd.s32 s4;
	_ =	sdelay $0x1  }
0x19: {  	s24 =	simm.s32 $0x1B8B  }
0x1a: {  	_ =	swait.ge [sflag:s24], $0x1  }
0x1b: {  	[sflag:s24] =	ssyncset.done $0x0  }
0x1c: {  	s26 =	simm.s32 $0x1B8E;
	s25 =	sld [smem:$0x3FFE];
	[sflag:s24] =	ssyncadd.s32 $0xFFFFFFFF  }
0x1d: {  	s27 =	simm.s32 $execute0_lowered;
	[smem:$0x3FD2] =	sst s26  }
0x1e: {  	s5 =	sshll.u32 s27, $0x1;
	_ =	strace $0x80000049;
	[dreg:$0x1] =	wrdreg $0xFFFFFFFF  }
0x1f: {  	s28 =	simm.s32 $_size_execute0_lowered;
	s3 =	sadd.s32 s3, s5;
	[dreg:$0x0] =	wrdreg $0x0  }
0x20: {  	s5 =	sshll.u32 s28, $0x1;
	[dreg:$0x2] =	wrdreg s3  }
0x21: {  	[dreg:$0x3] =	wrdreg s5  }
0x22: {  	[dreg:$0x4] =	wrdreg $0xC0  }
0x23: {  	_ =	task [dreg:s7], $0x5FFFF  }
0x24: {  	[dreg:$0x1] =	wrdreg $0xFFFFFFFF  }
0x25: {  	[dreg:$0x0] =	wrdreg $0x60  }
0x26: {  	[dreg:$0x2] =	wrdreg s25  }
0x27: {  	[dreg:$0x3] =	wrdreg s2  }
0x28: {  	[dreg:$0x4] =	wrdreg $0x9  }
0x29: {  	_ =	task.clear_ibuf [dreg:s7], $0x5FFFF;
	_ =	strace $0x90000049  }
0x2a: {  	s29 =	simm.s32 $0x9;
	_ =	strace $0x8000004B  }
0x2b: {  	_ =	swait.ge [sflag:s29], $0x1  }
0x2c: {  	[sflag:s29] =	ssyncadd.s32 $0xFFFFFFFF  }
0x2d: {  	_ =	strace $0x9000004B  }
0x2e: {  	_ =	sfence  }
0x2f: {  	s30 =	sld [smem:$0x0];
	_ =	sdelay $0x2  }
0x30: {  	s31 =	sshll.u32 s1, $0xD;
	s1 =	sshrl.u32 s1, $0x2  }
0x31: {  	s3 =	sand.u32 $0x4000, s31;
	s1 =	sadd.s32 s1, s30  }
0x32: {  	s0 =	sor.u32 s3, s0;
	s1 =	sshll.u32 s1, $0x11  }
0x33: {  	s0 =	sor.u32 s1, s0  }
0x34: {  	s0 =	sadd.s32 $0x8F2B, s0  }
0x35: {  	[sflag:s0] =	ssyncadd.remote.s32 $0x1  }
0x36: {  	_ =	sfence.sel $0xFFFF  }
0x37: {  	[dreg:$0x0] =	wrdreg $0xFFFFFFFF;
	(pc) =	sbr.abs _section_cstart, $3  }
0x38: {  	[dreg:$0x1] =	wrdreg $0xFFFFFFFF  }
0x39: {  	_ =	task.clear_ibuf [dreg:s7], $0x2FFFF;
	_ =	strace $0x9FFFFFFF  }
0x3a: {  	(tm) =	ssettm $0x7FFFFFFF  }
0x3b: {  	_ =	shalt  }
tec
execute0_lowered:
.L_overlay_start_1:
0x0: {  	(tag) =	ssettag $0x1  }
0x1: {  	s0 =	srdreg.scid  }
0x2: {  	s1 =	sshll.u32 s0, $0x4  }
0x3: {  	s0 =	stileid.u32;
	s1 =	sand.u32 $0x10, s1  }
0x4: {  	s1 =	sor.u32 s0, s1  }
0x5: {  	s6 =	rddreg [dreg:$0x0];
	s4 =	simm.s32 $0x1;
	s2 =	sshll.u32 s1, $0x7  }
0x6: {  	s7 =	simm.s32 $0x2;
	s12 =	simm.s32 $0x0;
	s1 =	ssub.s32 $0x1000, s2  }
0x7: {  	s8 =	simm.s32 $0x8000;
	s13 =	simm.s32 $0x0;
	s3 =	sand.u32 $0xF80, s1  }
0x8: {  	s9 =	simm.s32 $0x0;
	s5 =	sshrl.u32 s1, $0xC;
	p0 =	sne.s32 s3, $0x0  }
.Ltmp0:
0x9: {  	s1 =	rddreg [dreg:$0x2];
	s4 =	simm.s32 @!p0 $0x0;
	(pc) =	sbr.rel .LBB1_1-.Ltmp0, $4  }
0xa: {  	s11 =	simm.s32 $0x0;
	s3 =	rddreg [dreg:$0x1];
	s5 =	sadd.s32 s4, s5  }
0xb: {  	_ =	strace $0x8000004A;
	s4 =	simm.s32 $0x1;
	s5 =	smul.u32 $0xC8, s5  }
0xc: {  	s6 =	sadd.s32 $0x800, s6;
	s10 =	smov.u32 s2;
	[sflag:s4] =	ssyncpa.u1 $0x0  }
0xd: {  	p0 =	por $0x0, $0x0;
	[sflag:s7] =	ssyncpa.u1 $0x0;
	s7 =	sor.u32 $0x1, s5  }
.LBB1_4:
0xe: {  	s16 =	sshll.u32 s13, $0x3;
	s17 =	sand.u32 $0x78, s13  }
0xf: {  	s30 =	sand.u32 $0x7E00, s13;
	s12 =	sshll.u32 s12, $0xF;
	s16 =	sand.u32 $0xC00, s16  }
0x10: {  	[tilespmem:s15+$0x810 ss:$0x81] =	vst.msk $0xffff, v2;
	s31 =	sand.u32 $0x7, s13;
	s16 =	sor.u32 s17, s16;
	s17 =	sadd.s32 s3, s30  }
0x11: {  	[tilespmem:s15+$0x1020 ss:$0x81] =	vst.msk $0xffff, v0;
	s13 =	sshll.u32 s31, $0x12;
	s12 =	sadd.s32 s12, s17;
	s16 =	sshrl.u32 s16, $0x3  }
0x12: {  	[tilespmem:s15+$0x0 ss:$0x81] =	vst.msk $0xffff, v1;
	s13 =	sor.u32 $0x400, s13;
	s12 =	sadd.s32 s16, s12  }
0x13: {  	[hbm4b:s12+s13] =	stream.strided.scatter [tilespmem:s14], [sflag:$0x2], $0x2000, s8, s13, $0x20;
	[tilespmem:$0x8080] =	vst v63  }
.LBB1_5:
0x14: {  	s14 =	sadd.s32 $0x1, s9  }
0x15: {  	s12 =	sadd.s32 $0x1000, s10;
	s16 =	smov.u32 s10;
	p2 =	sgt.s32 s14, $0xC7  }
0x16: {  	s16 =	smov.u32 @p2 s12  }
0x17: {  	s14 =	simm.s32 @p2 $0x0;
	p2 =	sgt.s32 s16, $0xFFF  }
0x18: {  	s16 =	smov.u32 @p2 s2;
	p2 =	sne.s32 s11, s7  }
.Ltmp1:
0x19: {  	p1 =	slt.u32 s11, $0x2;
	(pc) =	sbr.rel @!p2 .LBB1_6-.Ltmp1, $4  }
0x1a: {  	s15 =	simm.s32 @!p1 $0x2  }
0x1b: {  	s13 =	smov.u32 s10;
	p0 =	por !p0, !p0;
	_ =	swait.ge @!p1 [sflag:s15], $0x2000  }
0x1c: {  	s12 =	smov.u32 s9;
	[sflag:s15] =	ssyncset.done @!p1 $0x0;
	s9 =	smov.u32 s14  }
0x1d: {  	s11 =	sadd.s32 $0x1, s11;
	[sflag:s15] =	ssyncadd.s32 @!p1 $0xFFFFE000;
	s10 =	smov.u32 s16  }
.LBB1_1:
0x1e: {  	p1 =	sge.u32 s11, s5  }
0x1f: {  	s14 =	sand.u32 @!p1 $0x1FFFFFF, s9  }
0x20: {  	s15 =	smulhi.u32 @!p1 $0x147AE15, s14;
	_ =	sdelay $0x1  }
0x21: {  	s15 =	smul.u32 @!p1 $0xC8, s15  }
0x22: {  	s16 =	sxor.u32 @!p1 $0xFFFFFFFF, s11;
	s17 =	smul.u32 @!p1 $0xC80, s10  }
0x23: {  	s31 =	sadd.s32 $0xFFFFFFFF, s11;
	s16 =	sshll.u32 @!p1 s16, $0xD;
	s14 =	ssub.s32 @!p1 s14, s15  }
0x24: {  	s15 =	sand.u32 @!p1 $0x2000, s16;
	s16 =	sadd.s32 @!p1 s6, s17;
	s14 =	sshll.u32 @!p1 s14, $0x4  }
0x25: {  	s17 =	simm.s32 @!p1 $0x6400;
	s14 =	sadd.s32 @!p1 s14, s16;
	s16 =	simm.s32 @!p1 $0x40  }
0x26: {  	[tilespmem:s15], [sflag:$0x1] =	stream.strided.gather @!p1 [hbm4b:s14+s16], $0x2000, s17, s16, $0x38;
	[tilespmem:$0x8080] =	vst v63  }
0x27: {  	p1 =	sge.u32 s31, s5  }
.Ltmp2:
0x28: {  	_ = 	snop;
	(pc) =	sbr.rel @p1 .LBB1_5-.Ltmp2, $1  }
0x29: {  	_ =	sdelay $0x3  }
0x2a: {  	s14 =	simm.s32 $0x1  }
0x2b: {  	_ =	swait.ge [sflag:s4], $0x2000;
	s14 =	simm.s32 @!p0 $0x0  }
0x2c: {  	[sflag:s4] =	ssyncset.done $0x0;
	s15 =	sshll.u32 s14, $0xD  }
0x2d: {  	[sflag:s4] =	ssyncadd.s32 $0xFFFFE000;
	s18 =	sor.u32 $0x20, s15  }
0x2e: {  	s14 =	smul.u32 $0x8100, s14;
	v3 =	vld [tilespmem:s18+$0x10]  }
0x2f: {  	s30 =	sand.u32 $0x1, s11;
	v2 =	vld [tilespmem:s18+$0xFFFFFFF0]  }
0x30: {  	s15 =	smul.u32 $0x8100, s30;
	s14 =	sshrl.u32 s14, $0x2;
	v0 =	vld [tilespmem:s18+$0x0]  }
0x31: {  	v1 =	vld [tilespmem:s18+$0xFFFFFFE0];
	s16 =	sor.u32 $0x4000, s14  }
0x32: {  	s31 =	sshrl.u32 s15, $0x2;
	s15 =	sadd.s32 $0x0, s16  }
0x33: {  	s17 =	simm.s32 $0x4;
	s18 =	sadd.s32 $0x40, s18;
	s14 =	sor.u32 $0x4000, s31;
	[tilespmem:s15+$0x1830 ss:$0x81] =	vst.msk $0xffff, v3  }
.LBB1_3:
0x34: {  	v3 =	vld [tilespmem:s18+$0x10];
	p1 =	sne.s32 s17, $0x1FC;
	[tilespmem:s15+$0x810 ss:$0x81] =	vst.msk $0xffff, v2;
	s19 =	smov.u32 s17;
	s17 =	sadd.s32 $0x4, s17  }
.Ltmp3:
0x35: {  	v2 =	vld [tilespmem:s18+$0xFFFFFFF0];
	[tilespmem:s15+$0x1020 ss:$0x81] =	vst.msk $0xffff, v0;
	(pc) =	sbr.rel @p1 .LBB1_3-.Ltmp3, $4  }
0x36: {  	v0 =	vld [tilespmem:s18+$0x0];
	[tilespmem:s15+$0x0 ss:$0x81] =	vst.msk $0xffff, v1  }
0x37: {  	s15 =	sshra.s32 s19, $0x2;
	v1 =	vld [tilespmem:s18+$0xFFFFFFE0]  }
0x38: {  	s15 =	sadd.s32 s15, s16  }
0x39: {  	s18 =	sadd.s32 $0x40, s18;
	[tilespmem:s15+$0x1830 ss:$0x81] =	vst.msk $0xffff, v3  }
.Ltmp4:
0x3a: {  	_ = 	snop;
	(pc) =	sbr.rel .LBB1_4-.Ltmp4, $1  }
0x3b: {  	_ =	sdelay $0x3  }
.LBB1_6:
0x3c: {  	_ =	sfence.sel $0x180000  }
0x3d: {  	s2 =	simm.s32 $0x1;
	[bflag:$0x0] =	sbarrier.arrive $0xFFFF  }
0x3e: {  	s31 =	simm.s32 $0x2;
	[sflag:s2] =	ssyncpa.u1 $0x1  }
0x3f: {  	[sflag:s31] =	ssyncpa.u1 $0x1  }
0x40: {  	p0 =	sne.s32 s0, $0x0;
	_ =	strace $0x9000004A  }
0x41: {  	s0 =	sadd.s32 @!p0 $0x100000, s1;
	[bflag:$0x2] =	sbarrier.arrive $0xFFFF  }
0x42: {  	[sflag:s0] =	ssyncadd.tile.s32 @!p0 $0x1;
	_ =	shalt  }
.Lfunc_end1:
_tile_overlayer_lowered:
.L_overlay_start_2:
0x43: {  	(tag) =	ssettag $0x2  }
0x44: {  	s0 =	rddreg [dreg:$0x0];
	s2 =	stileid.u32  }
0x45: {  	s1 =	rddreg [dreg:$0x1];
	p0 =	sne.s32 s2, $0x0  }
0x46: {  	s3 =	rddreg [dreg:$0x2];
	[bflag:$0x3] =	sbarrier.arrive $0xFFFF;
	s2 =	simm.s32 @!p0 $0x1C01  }
0x47: {  	[timem:s3], [sflag:s2] =	dma.local @!p0 [hbm:s0], s1  }
0x48: {  	s0 =	simm.s32 @!p0 $0x1  }
0x49: {  	_ =	swait.ge @!p0 [sflag:s0], s1  }
0x4a: {  	s1 =	ssub.s32 @!p0 $0x0, s1;
	[sflag:s0] =	ssyncset.done @!p0 $0x0  }
0x4b: {  	[sflag:s0] =	ssyncadd.s32 @!p0 s1  }
0x4c: {  	[bflag:$0x3] =	sbarrier.arrive $0xFFFF  }
0x4d: {  	_ =	shalt  }

</sc_bundles>
